<compile_context>
chip_gen: v7x
topology: tpu7x:2x2x1
jax: 0.10.2.dev20260603
libtpu: 0.0.44.dev20260713+nightly
codegen_flags: <defaults>
</compile_context>

<pallas_src>
import jax
import jax.numpy as jnp
from jax import lax
from jax.experimental import pallas as pl
from jax.experimental.pallas import tpu as pltpu
from jax.experimental.pallas import tpu_sc as plsc

_LANES = 16
_NC = 2
_NS = 16


def _make_body(n, span, num_cores):
    def _body(e_hbm, idx_hbm, sh_hbm, sc_hbm, out_hbm,
              sh_v, sc_v, idx_v, e_v, o_v, sem):
        wid = lax.axis_index("s") * num_cores + lax.axis_index("c")
        base = jnp.minimum(wid * span, n - span)
        c1 = pltpu.async_copy(sh_hbm, sh_v, sem)
        c2 = pltpu.async_copy(sc_hbm, sc_v, sem)
        c3 = pltpu.async_copy(e_hbm.at[pl.ds(base, span)], e_v, sem)
        c4 = pltpu.async_copy(idx_hbm.at[pl.ds(base, span)], idx_v, sem)
        c1.wait(); c2.wait(); c3.wait(); c4.wait()

        @plsc.parallel_loop(0, span // _LANES, unroll=7)
        def _(j):
            sl = pl.ds(j * _LANES, _LANES)
            iv = idx_v[sl]
            sv = plsc.load_gather(sh_v, [iv])
            cv = plsc.load_gather(sc_v, [iv])
            o_v[sl] = e_v[sl] * cv + sv

        pltpu.sync_copy(o_v, out_hbm.at[pl.ds(base, span)])

    return _body


def kernel(energy, species_idx, shifts, scales):
    n = energy.shape[0]
    n_workers = _NC * _NS
    span = -(-n // (n_workers * _LANES)) * _LANES
    assert span % 8 == 0 and (n - span) % 8 == 0 and span <= n
    n_types = shifts.shape[0]
    mesh = plsc.VectorSubcoreMesh(
        core_axis_name="c", subcore_axis_name="s", num_cores=_NC, num_subcores=_NS
    )
    run = pl.kernel(
        _make_body(n, span, mesh.num_cores),
        out_type=jax.ShapeDtypeStruct((n,), jnp.float32),
        mesh=mesh,
        compiler_params=pltpu.CompilerParams(needs_layout_passes=False),
        scratch_types=[
            pltpu.VMEM((n_types,), jnp.float32),
            pltpu.VMEM((n_types,), jnp.float32),
            pltpu.VMEM((span,), jnp.int32),
            pltpu.VMEM((span,), jnp.float32),
            pltpu.VMEM((span,), jnp.float32),
            pltpu.SemaphoreType.DMA,
        ],
    )
    return run(energy.reshape(n), species_idx, shifts, scales).reshape(n, 1)

# --- scband reference (transcript-rebuilt; emitter-appended) ---
"""Pipeline reference for scband-per-species-rescale-35244501631531 (READ-ONLY COPY).

The authoritative reference and input builder live on the scoring server;
editing this copy changes nothing except your own understanding.
"""

import jax, jax.numpy as jnp
import numpy as np

N_NODES = 100000
N_TYPES = 119


def setup_inputs(seed: int = 0) -> dict:
    key = jax.random.key(seed)
    k1, k2, k3, k4 = jax.random.split(key, 4)
    energy = jax.random.normal(k1, (N_NODES, 1), dtype=jnp.float32)
    species_idx = jax.random.randint(k2, (N_NODES,), 0, N_TYPES, dtype=jnp.int32)
    shifts = jax.random.normal(k3, (N_TYPES,), dtype=jnp.float32)
    scales = jax.random.uniform(k4, (N_TYPES,), dtype=jnp.float32)
    return {"energy": energy, "species_idx": species_idx, "shifts": shifts, "scales": scales}


def reference(energy, species_idx, shifts, scales):
    # Per-species gather of shift/scale (embedding lookup into small tables)
    s = shifts[species_idx]   # [N]
    c = scales[species_idx]   # [N]
    # Faithful to original: vmapped per-row multiply/add so the per-node
    # scalar broadcasts across the feature dim of the rescaled field.
    vmul = jax.vmap(jnp.multiply, (0, 0))
    vadd = jax.vmap(jnp.add, (0, 0))
    rescaled = vadd(vmul(energy, c), s)  # [N, 1]
    return rescaled

if __name__ == "__main__":
    import jax
    _d = setup_inputs()
    print(jax.jit(kernel)(*tuple(_d.values())))

</pallas_src>

<mosaic_0001>
#map = affine_map<(d0, d1) -> (0)>
module attributes {stable_mosaic.version = 14 : i64} {
  func.func @_body(%arg0: i32, %arg1: i32, %arg2: memref<100000xf32, #tpu.memory_space<hbm>>, %arg3: memref<100000xi32, #tpu.memory_space<hbm>>, %arg4: memref<119xf32, #tpu.memory_space<hbm>>, %arg5: memref<119xf32, #tpu.memory_space<hbm>>, %arg6: memref<100000xf32, #tpu.memory_space<hbm>>, %arg7: memref<119xf32, #tpu.memory_space<vmem>>, %arg8: memref<119xf32, #tpu.memory_space<vmem>>, %arg9: memref<3136xi32, #tpu.memory_space<vmem>>, %arg10: memref<3136xf32, #tpu.memory_space<vmem>>, %arg11: memref<3136xf32, #tpu.memory_space<vmem>>, %arg12: memref<!tpu.dma_semaphore, #tpu.memory_space<semaphore_mem>>) attributes {dimension_semantics = [#tpu.dimension_semantics<core_parallel>, #tpu.dimension_semantics<subcore_parallel>], iteration_bounds = array<i64: 2, 16>, scalar_prefetch = 0 : i64, scratch_operands = 6 : i64, tpu.core_type = #tpu.core_type<sc_vector_subcore>, window_params = [{transform_indices = #map}, {transform_indices = #map}, {transform_indices = #map}, {transform_indices = #map}, {transform_indices = #map}]} {
    %mul3A = arith.constant 2 : i32
    %mul3A_0 = arith.muli %arg1, %mul3A : i32
    %add3A = arith.addi %mul3A_0, %arg0 : i32
    %mul3A_1 = arith.constant 3136 : i32
    %mul3A_2 = arith.muli %add3A, %mul3A_1 : i32
    %min3A = arith.constant 96864 : i32
    %min3A_3 = arith.minsi %mul3A_2, %min3A : i32
    tpu.enqueue_dma source(%arg4 : memref<119xf32, #tpu.memory_space<hbm>>) target(%arg7 : memref<119xf32, #tpu.memory_space<vmem>>) target_semaphore(%arg12 : memref<!tpu.dma_semaphore, #tpu.memory_space<semaphore_mem>>)
    tpu.enqueue_dma source(%arg5 : memref<119xf32, #tpu.memory_space<hbm>>) target(%arg8 : memref<119xf32, #tpu.memory_space<vmem>>) target_semaphore(%arg12 : memref<!tpu.dma_semaphore, #tpu.memory_space<semaphore_mem>>)
    %dma_start3A = tpu.memref_slice %arg2[%min3A_3] : memref<100000xf32, #tpu.memory_space<hbm>> -> memref<3136xf32, #tpu.memory_space<hbm>>
    %dma_start3A_4 = tpu.memref_slice %arg2[%min3A_3] : memref<100000xf32, #tpu.memory_space<hbm>> -> memref<3136xf32, #tpu.memory_space<hbm>>
    tpu.enqueue_dma source(%dma_start3A_4 : memref<3136xf32, #tpu.memory_space<hbm>>) target(%arg10 : memref<3136xf32, #tpu.memory_space<vmem>>) target_semaphore(%arg12 : memref<!tpu.dma_semaphore, #tpu.memory_space<semaphore_mem>>)
    %dma_start3A_5 = tpu.memref_slice %arg3[%min3A_3] : memref<100000xi32, #tpu.memory_space<hbm>> -> memref<3136xi32, #tpu.memory_space<hbm>>
    %dma_start3A_6 = tpu.memref_slice %arg3[%min3A_3] : memref<100000xi32, #tpu.memory_space<hbm>> -> memref<3136xi32, #tpu.memory_space<hbm>>
    tpu.enqueue_dma source(%dma_start3A_6 : memref<3136xi32, #tpu.memory_space<hbm>>) target(%arg9 : memref<3136xi32, #tpu.memory_space<vmem>>) target_semaphore(%arg12 : memref<!tpu.dma_semaphore, #tpu.memory_space<semaphore_mem>>)
    tpu.wait_dma2 semaphore(%arg12 : memref<!tpu.dma_semaphore, #tpu.memory_space<semaphore_mem>>) src(%arg4 : memref<119xf32, #tpu.memory_space<hbm>>) dst(%arg7 : memref<119xf32, #tpu.memory_space<vmem>>)
    tpu.wait_dma2 semaphore(%arg12 : memref<!tpu.dma_semaphore, #tpu.memory_space<semaphore_mem>>) src(%arg5 : memref<119xf32, #tpu.memory_space<hbm>>) dst(%arg8 : memref<119xf32, #tpu.memory_space<vmem>>)
    %dma_wait3A = tpu.memref_slice %arg2[%min3A_3] : memref<100000xf32, #tpu.memory_space<hbm>> -> memref<3136xf32, #tpu.memory_space<hbm>>
    %dma_wait3A_7 = tpu.memref_slice %arg2[%min3A_3] : memref<100000xf32, #tpu.memory_space<hbm>> -> memref<3136xf32, #tpu.memory_space<hbm>>
    tpu.wait_dma2 semaphore(%arg12 : memref<!tpu.dma_semaphore, #tpu.memory_space<semaphore_mem>>) src(%dma_wait3A_7 : memref<3136xf32, #tpu.memory_space<hbm>>) dst(%arg10 : memref<3136xf32, #tpu.memory_space<vmem>>)
    %dma_wait3A_8 = tpu.memref_slice %arg3[%min3A_3] : memref<100000xi32, #tpu.memory_space<hbm>> -> memref<3136xi32, #tpu.memory_space<hbm>>
    %dma_wait3A_9 = tpu.memref_slice %arg3[%min3A_3] : memref<100000xi32, #tpu.memory_space<hbm>> -> memref<3136xi32, #tpu.memory_space<hbm>>
    tpu.wait_dma2 semaphore(%arg12 : memref<!tpu.dma_semaphore, #tpu.memory_space<semaphore_mem>>) src(%dma_wait3A_9 : memref<3136xi32, #tpu.memory_space<hbm>>) dst(%arg9 : memref<3136xi32, #tpu.memory_space<vmem>>)
    %parallel_loop3A = arith.constant 0 : i32
    %parallel_loop3A_10 = arith.constant 196 : i32
    %parallel_loop3A_11 = arith.constant 1 : i32
    scf.for %parallel_loop3A_12 = %parallel_loop3A to %parallel_loop3A_10 step %parallel_loop3A_11  : i32 {
      %parallel_loop3A_13 = arith.constant 16 : i32
      %parallel_loop3A_14 = arith.muli %parallel_loop3A_12, %parallel_loop3A_13 : i32
      %parallel_loop3A_15 = arith.index_cast %parallel_loop3A_14 : i32 to index
      %parallel_loop3A_16 = tpu.vector_load %arg9[%parallel_loop3A_15] {strides = array<i32>} : memref<3136xi32, #tpu.memory_space<vmem>>, vector<16xi32>,
      %parallel_loop3A_17 = tpu.vector_load_idx %arg7[%parallel_loop3A_16] : memref<119xf32, #tpu.memory_space<vmem>>[vector<16xi32>], vector<16xf32>,
      %parallel_loop3A_18 = tpu.vector_load_idx %arg8[%parallel_loop3A_16] : memref<119xf32, #tpu.memory_space<vmem>>[vector<16xi32>], vector<16xf32>,
      %parallel_loop3A_19 = arith.index_cast %parallel_loop3A_14 : i32 to index
      %parallel_loop3A_20 = tpu.vector_load %arg10[%parallel_loop3A_19] {strides = array<i32>} : memref<3136xf32, #tpu.memory_space<vmem>>, vector<16xf32>,
      %parallel_loop3A_21 = arith.mulf %parallel_loop3A_20, %parallel_loop3A_18 : vector<16xf32>
      %parallel_loop3A_22 = arith.addf %parallel_loop3A_21, %parallel_loop3A_17 : vector<16xf32>
      %parallel_loop3A_23 = arith.index_cast %parallel_loop3A_14 : i32 to index
      %parallel_loop3A_24 = tpu.vector_load %arg11[%parallel_loop3A_23] {strides = array<i32>} : memref<3136xf32, #tpu.memory_space<vmem>>, vector<16xf32>,
      tpu.vector_store %arg11[%parallel_loop3A_23], %parallel_loop3A_22 {strides = array<i32>} : memref<3136xf32, #tpu.memory_space<vmem>>, vector<16xf32>,
    } {sc.loop_unroll_factor = 7 : i64, sc.parallel_access}
    "tpu.region"() ({
      %run_scoped3A = tpu.sem_alloc : memref<!tpu.dma_semaphore, #tpu.memory_space<semaphore_mem>>
      %dma_start3A_12 = tpu.memref_slice %arg6[%min3A_3] : memref<100000xf32, #tpu.memory_space<hbm>> -> memref<3136xf32, #tpu.memory_space<hbm>>
      %dma_start3A_13 = tpu.memref_slice %arg6[%min3A_3] : memref<100000xf32, #tpu.memory_space<hbm>> -> memref<3136xf32, #tpu.memory_space<hbm>>
      tpu.enqueue_dma source(%arg11 : memref<3136xf32, #tpu.memory_space<vmem>>) target(%dma_start3A_13 : memref<3136xf32, #tpu.memory_space<hbm>>) target_semaphore(%run_scoped3A : memref<!tpu.dma_semaphore, #tpu.memory_space<semaphore_mem>>)
      %dma_wait3A_14 = tpu.memref_slice %arg6[%min3A_3] : memref<100000xf32, #tpu.memory_space<hbm>> -> memref<3136xf32, #tpu.memory_space<hbm>>
      %dma_wait3A_15 = tpu.memref_slice %arg6[%min3A_3] : memref<100000xf32, #tpu.memory_space<hbm>> -> memref<3136xf32, #tpu.memory_space<hbm>>
      tpu.wait_dma2 semaphore(%run_scoped3A : memref<!tpu.dma_semaphore, #tpu.memory_space<semaphore_mem>>) src(%arg11 : memref<3136xf32, #tpu.memory_space<vmem>>) dst(%dma_wait3A_15 : memref<3136xf32, #tpu.memory_space<hbm>>)
      tpu.yield
    }) : () -> ()
    return
  }
}

</mosaic_0001>

<sc_bundles>
// kernel: kernel.3.cloned.1.call-start
scs
__scs_entry_jumppad:
0x0: {  	(pc) =	sbr.rel $0x88, $3  }
0x1: {  	(tag) =	ssettag $0x0;
	lr =	simm.s32 $0x1  }
0x2: {  	[smem:$0x3F9D] =	sst lr;
	_ =	strace $0xD0000000  }
0x3: {  	_ = 	snop  }
0x4: {  	_ = 	snop  }
0x5: {  	_ = 	snop  }
0x6: {  	_ = 	snop  }
0x7: {  	_ = 	snop  }
__scs_overlays_trampoline_lowered:
0x8: {  	[smem:$0x3FAC] =	sst s0  }
0x9: {  	[smem:$0x3FAD] =	sst s1  }
0xa: {  	[smem:$0x3FAE] =	sst s2  }
0xb: {  	[smem:$0x3FAF] =	sst s3  }
0xc: {  	[smem:$0x3FB0] =	sst s4  }
0xd: {  	[smem:$0x3FB1] =	sst s5  }
0xe: {  	[smem:$0x3FB2] =	sst s6  }
0xf: {  	[smem:$0x3FB3] =	sst s7  }
0x10: {  	[smem:$0x3FB4] =	sst s8  }
0x11: {  	[smem:$0x3FB5] =	sst s9;
	s0 =	simm.s32 @!p0 $0x0  }
0x12: {  	s1 =	sld [smem:$0x3F9B];
	s0 =	simm.s32 @p0 $0x1  }
0x13: {  	[smem:$0x3FB6] =	sst s0;
	s0 =	simm.s32 @!p1 $0x0  }
0x14: {  	s2 =	sld [smem:$0x3F9A];
	s0 =	simm.s32 @p1 $0x1  }
0x15: {  	[smem:$0x3FB7] =	sst s0;
	s0 =	simm.s32 @!p2 $0x0  }
0x16: {  	s3 =	sld [smem:$0x3FDB];
	s0 =	simm.s32 @p2 $0x1  }
0x17: {  	s4 =	simm.s32 $0x1BF5;
	[smem:$0x3FB9] =	sst s0  }
0x18: {  	s0 =	sld [smem:$0x3F9C];
	_ =	swait.ge [sflag:s4], $0x0  }
0x19: {  	s7 =	sld [smem:$0x3F9D]  }
0x1a: {  	s8 =	sadd.s32 $0xFFFFE003, lr  }
0x1b: {  	s9 =	sadd.s32 $0xFFFFFEF7, lr;
	s5 =	simm.s32 $0xFFFFFFFF;
	p2 =	slt.u32 s8, $0xFFFFF086  }
0x1c: {  	p1 =	slt.u32 s9, $0xF7A;
	s5 =	simm.s32 @!p2 $0x0  }
0x1d: {  	s5 =	simm.s32 @p1 $0x1;
	p0 =	seq.s32 s7, s2  }
0x1e: {  	s7 =	smul.u32 @!p0 $0xF7A, s2;
	p2 =	seq.s32 @!p0 s5, $0x0  }
0x1f: {  	s9 =	smul.u32 $0xF7A, s1;
	s8 =	simm.s32 @!p0 $0x1BF5;
	p2 =	por !p2, p0  }
0x20: {  	[sflag:s8] =	ssyncset.s32 @!p0 $0xFFFFF086;
	s6 =	sadd.s32 @!p0 s3, s7;
	s7 =	simm.s32 @!p0 $0x108  }
0x21: {  	s3 =	sadd.s32 s3, s9;
	s6 =	sadd.s32 @!p0 $0x88, s6;
	s7 =	simm.s32 @p2 $0x1082  }
0x22: {  	[simem:s7], [sflag:s8] =	dma.local @!p0 [hbm:s6], $0xF7A  }
0x23: {  	s9 =	sor.u32 $0xD0000000, s2;
	s6 =	simm.s32 $0x108;
	_ =	swait.ge @!p0 [sflag:s8], $0x0  }
0x24: {  	s3 =	sadd.s32 $0x88, s3;
	s6 =	simm.s32 @!p1 $0x1082;
	[sflag:s4] =	ssyncset.s32 $0xFFFFF086  }
0x25: {  	[simem:s6], [sflag:s4] =	dma.local [hbm:s3], $0xF7A  }
0x26: {  	[smem:$0x3F9D] =	sst s1;
	(tag) =	ssettag s2;
	_ =	strace s9  }
0x27: {  	s1 =	sld [smem:$0x3FAD]  }
0x28: {  	s2 =	sld [smem:$0x3FAE]  }
0x29: {  	s4 =	sld [smem:$0x3FB0]  }
0x2a: {  	p0 =	seq.s32 s5, $0x0;
	s5 =	sld [smem:$0x3FB1]  }
0x2b: {  	s6 =	sld [smem:$0x3FB2]  }
0x2c: {  	s7 =	sld [smem:$0x3FB3]  }
0x2d: {  	s3 =	simm.s32 $0x108;
	s8 =	sld [smem:$0x3FB4]  }
0x2e: {  	s3 =	simm.s32 @!p0 $0x1082;
	s9 =	sld [smem:$0x3FB5]  }
0x2f: {  	lr =	sadd.s32 s0, s3;
	s0 =	sld [smem:$0x3FAC]  }
0x30: {  	s3 =	sld [smem:$0x3FAF]  }
0x31: {  	[smem:$0x3FB8] =	sst s10  }
0x32: {  	s10 =	sld [smem:$0x3FB6];
	_ =	sdelay $0x3  }
0x33: {  	p0 =	seq.s32 s10, $0x1;
	s10 =	sld [smem:$0x3FB8];
	_ =	sdelay $0x3  }
0x34: {  	[smem:$0x3FB8] =	sst s10  }
0x35: {  	s10 =	sld [smem:$0x3FB7];
	_ =	sdelay $0x3  }
0x36: {  	p1 =	seq.s32 s10, $0x1;
	s10 =	sld [smem:$0x3FB8];
	_ =	sdelay $0x3  }
0x37: {  	[smem:$0x3FB8] =	sst s10  }
0x38: {  	s10 =	sld [smem:$0x3FB9]  }
0x39: {  	_ = 	snop;
	(pc) =	sbr.ind lr, $3  }
0x3a: {  	_ = 	snop  }
0x3b: {  	_ = 	snop  }
0x3c: {  	p2 =	seq.s32 s10, $0x1;
	s10 =	sld [smem:$0x3FB8]  }
0x3d: {  	_ =	shalt  }
0x3e: {  	_ =	shalt  }
0x3f: {  	_ =	shalt  }
0x40: {  	_ =	shalt  }
0x41: {  	_ =	shalt  }
0x42: {  	_ =	shalt  }
0x43: {  	_ =	shalt  }
0x44: {  	_ =	shalt  }
0x45: {  	_ =	shalt  }
0x46: {  	_ =	shalt  }
0x47: {  	_ =	shalt  }
0x48: {  	_ =	shalt  }
0x49: {  	_ =	shalt  }
0x4a: {  	_ =	shalt  }
0x4b: {  	_ =	shalt  }
0x4c: {  	_ =	shalt  }
0x4d: {  	_ =	shalt  }
0x4e: {  	_ =	shalt  }
0x4f: {  	_ =	shalt  }
0x50: {  	_ =	shalt  }
0x51: {  	_ =	shalt  }
0x52: {  	_ =	shalt  }
0x53: {  	_ =	shalt  }
0x54: {  	_ =	shalt  }
0x55: {  	_ =	shalt  }
0x56: {  	_ =	shalt  }
0x57: {  	_ =	shalt  }
0x58: {  	_ =	shalt  }
0x59: {  	_ =	shalt  }
0x5a: {  	_ =	shalt  }
0x5b: {  	_ =	shalt  }
0x5c: {  	_ =	shalt  }
0x5d: {  	_ =	shalt  }
0x5e: {  	_ =	shalt  }
0x5f: {  	_ =	shalt  }
0x60: {  	_ =	shalt  }
0x61: {  	_ =	shalt  }
0x62: {  	_ =	shalt  }
0x63: {  	_ =	shalt  }
0x64: {  	_ =	shalt  }
0x65: {  	_ =	shalt  }
0x66: {  	_ =	shalt  }
0x67: {  	_ =	shalt  }
0x68: {  	_ =	shalt  }
0x69: {  	_ =	shalt  }
0x6a: {  	_ =	shalt  }
0x6b: {  	_ =	shalt  }
0x6c: {  	_ =	shalt  }
0x6d: {  	_ =	shalt  }
0x6e: {  	_ =	shalt  }
0x6f: {  	_ =	shalt  }
0x70: {  	_ =	shalt  }
0x71: {  	_ =	shalt  }
0x72: {  	_ =	shalt  }
0x73: {  	_ =	shalt  }
0x74: {  	_ =	shalt  }
0x75: {  	_ =	shalt  }
0x76: {  	_ =	shalt  }
0x77: {  	_ =	shalt  }
0x78: {  	_ =	shalt  }
0x79: {  	_ =	shalt  }
0x7a: {  	_ =	shalt  }
0x7b: {  	_ =	shalt  }
0x7c: {  	_ =	shalt  }
0x7d: {  	_ =	shalt  }
0x7e: {  	_ =	shalt  }
0x7f: {  	_ =	shalt  }
0x80: {  	_ =	shalt  }
0x81: {  	_ =	shalt  }
0x82: {  	_ =	shalt  }
0x83: {  	_ =	shalt  }
0x84: {  	_ =	shalt  }
0x85: {  	_ =	shalt  }
0x86: {  	_ =	shalt  }
0x87: {  	_ =	shalt  }
.Lfunc_end0:
.L_simem_size_0:
called_computation_lowered:
.L_overlay_start_0:
0x88: {  	s2 =	sld [smem:$0x3FD9]  }
0x89: {  	s3 =	sld [smem:$0x3FFE];
	_ =	sdelay $0x1  }
0x8a: {  	s1 =	srdreg.scid  }
0x8b: {  	s0 =	sand.u32 $0x1, s1  }
0x8c: {  	s17 =	sshll.u32 s0, $0xA;
	s2 =	sadd.s32 s3, s2  }
0x8d: {  	s2 =	sadd.s32 s2, s17  }
0x8e: {  	[smem:$0x3FC4] =	sst s2  }
0x8f: {  	_ = 	snop  }
0x90: {  	s2 =	sld [smem:$0x3FC8]  }
0x91: {  	s18 =	sld [smem:$0x3FC7]  }
0x92: {  	s4 =	sld [smem:$0x3FC6];
	(tm) =	ssettm $0x1  }
0x93: {  	s5 =	sld [smem:$0x3FFB];
	_ =	sdelay $0x3  }
0x94: {  	_ =	strace s5  }
0x95: {  	s5 =	sld [smem:$0x3FFC];
	_ =	sdelay $0x3  }
0x96: {  	_ =	strace s5  }
0x97: {  	s5 =	sld [smem:$0x3FFD];
	_ =	sdelay $0x3  }
0x98: {  	_ =	strace s5  }
0x99: {  	_ =	strace $0x8FFFFFFF  }
0x9a: {  	s19 =	sld [smem:$0x3FDB];
	_ =	sdelay $0x1  }
0x9b: {  	s6 =	simm.s32 $_scs_section_size  }
0x9c: {  	s7 =	simm.s32 $_size__tile_overlayer_lowered;
	s8 =	simm.s32 $_tile_overlayer_lowered  }
0x9d: {  	s22 =	simm.s32 $0x1BFF;
	s21 =	sshll.u32 s8, $0x1;
	s5 =	sadd.s32 s6, s19  }
0x9e: {  	s9 =	simm.s32 $0x0;
	s20 =	sshll.u32 s7, $0x1;
	s7 =	sadd.s32 s21, s5  }
0x9f: {  	[timem:s9], [sflag:s22] =	dma.local [hbm:s7], s20  }
0xa0: {  	_ =	swait.ge [sflag:s22], s20  }
0xa1: {  	s6 =	ssub.s32 $0x0, s20;
	[sflag:s22] =	ssyncset.done $0x0  }
0xa2: {  	[sflag:s22] =	ssyncadd.s32 s6;
	_ =	sdelay $0x1  }
0xa3: {  	s23 =	simm.s32 $0x1B8B  }
0xa4: {  	_ =	swait.ge [sflag:s23], $0x1  }
0xa5: {  	[sflag:s23] =	ssyncset.done $0x0  }
0xa6: {  	s25 =	simm.s32 $0x1B8E;
	s24 =	sld [smem:$0x3FFE];
	[sflag:s23] =	ssyncadd.s32 $0xFFFFFFFF  }
0xa7: {  	s26 =	simm.s32 $execute0_lowered;
	[smem:$0x3FD2] =	sst s25  }
0xa8: {  	s7 =	sshll.u32 s26, $0x1;
	_ =	strace $0x80000046;
	[dreg:$0x1] =	wrdreg $0xFFFFFFFF  }
0xa9: {  	s28 =	simm.s32 $_size_execute0_lowered;
	s5 =	sadd.s32 s5, s7;
	[dreg:$0x0] =	wrdreg $0x0  }
0xaa: {  	s7 =	sshll.u32 s28, $0x1;
	[dreg:$0x2] =	wrdreg s5  }
0xab: {  	[dreg:$0x3] =	wrdreg s7  }
0xac: {  	[dreg:$0x4] =	wrdreg $0xC0  }
0xad: {  	_ =	task [dreg:s9], $0x5FFFF  }
0xae: {  	[dreg:$0x1] =	wrdreg $0xFFFFFFFF  }
0xaf: {  	[dreg:$0x0] =	wrdreg $0x60  }
0xb0: {  	[dreg:$0x2] =	wrdreg s24  }
0xb1: {  	[dreg:$0x3] =	wrdreg s2  }
0xb2: {  	[dreg:$0x4] =	wrdreg s18  }
0xb3: {  	[dreg:$0x5] =	wrdreg s4  }
0xb4: {  	[dreg:$0x6] =	wrdreg $0x9  }
0xb5: {  	_ =	task.clear_ibuf [dreg:s9], $0x7FFFF;
	_ =	strace $0x90000046  }
0xb6: {  	s29 =	simm.s32 $0x9;
	_ =	strace $0x80000048  }
0xb7: {  	_ =	swait.ge [sflag:s29], $0x1  }
0xb8: {  	[sflag:s29] =	ssyncadd.s32 $0xFFFFFFFF  }
0xb9: {  	_ =	strace $0x90000048  }
0xba: {  	_ =	sfence  }
0xbb: {  	s30 =	sld [smem:$0x0];
	_ =	sdelay $0x2  }
0xbc: {  	s31 =	sshll.u32 s1, $0xD;
	s1 =	sshrl.u32 s1, $0x2  }
0xbd: {  	s3 =	sand.u32 $0x4000, s31;
	s1 =	sadd.s32 s1, s30  }
0xbe: {  	s0 =	sor.u32 s3, s0;
	s1 =	sshll.u32 s1, $0x11  }
0xbf: {  	s0 =	sor.u32 s1, s0  }
0xc0: {  	s0 =	sadd.s32 $0x8F2B, s0  }
0xc1: {  	[sflag:s0] =	ssyncadd.remote.s32 $0x1  }
0xc2: {  	_ =	sfence.sel $0xFFFF  }
0xc3: {  	[dreg:$0x0] =	wrdreg $0xFFFFFFFF;
	(pc) =	sbr.abs _section_cstart, $3  }
0xc4: {  	[dreg:$0x1] =	wrdreg $0xFFFFFFFF  }
0xc5: {  	_ =	task.clear_ibuf [dreg:s9], $0x2FFFF;
	_ =	strace $0x9FFFFFFF  }
0xc6: {  	(tm) =	ssettm $0x7FFFFFFF  }
0xc7: {  	_ =	shalt  }
tec
execute0_lowered:
.L_overlay_start_1:
0x0: {  	(tag) =	ssettag $0x1  }
0x1: {  	s5 =	rddreg [dreg:$0x0]  }
0x2: {  	s6 =	rddreg [dreg:$0x1]  }
0x3: {  	s1 =	srdreg.scid;
	s2 =	rddreg [dreg:$0x2]  }
0x4: {  	s0 =	stileid.u32;
	s3 =	rddreg [dreg:$0x3]  }
0x5: {  	s4 =	simm.s32 $0x0;
	s7 =	sand.u32 $0x1, s1;
	s31 =	sshll.u32 s0, $0x1  }
0x6: {  	s10 =	simm.s32 $0xD80;
	s11 =	simm.s32 $0x100;
	s1 =	sor.u32 s7, s31  }
0x7: {  	s12 =	simm.s32 $0x1;
	s13 =	simm.s32 $0x1A00;
	s8 =	smul.u32 $0xC40, s1  }
0x8: {  	s14 =	simm.s32 $0x2;
	s15 =	simm.s32 $0x0;
	[smem:$0x7FF] =	sst s4  }
0x9: {  	s7 =	ssub.s32 $0x2, s7;
	s1 =	rddreg [dreg:$0x4];
	s8 =	smin.u32 s8, $0x17A60  }
0xa: {  	_ =	strace $0x80000047;
	s9 =	sshrl.u32 s7, $0x1;
	s8 =	sshrl.u32 s8, $0x3  }
0xb: {  	s9 =	ssub.s32 s7, s9;
	s5 =	sadd.s32 s5, s8;
	s6 =	sadd.s32 s6, s8  }
0xc: {  	s8 =	smax.u32 s9, $0x1;
	s9 =	simm.s32 $0x80;
	s7 =	sadd.s32 $0x3200, s5  }
.LBB2_1:
0xd: {  	[tilespmem:s4], [sflag:$0x1] =	stream.linear.gather [hbm4b:s2+s4], $0x80, $0x38;
	[tilespmem:$0x2680] =	vst v63  }
0xe: {  	_ = 	snop  }
0xf: {  	[tilespmem:s9], [sflag:$0x1] =	stream.linear.gather [hbm4b:s3+s4], $0x80, $0x38;
	[tilespmem:$0x2680] =	vst v63  }
0x10: {  	_ = 	snop  }
0x11: {  	[tilespmem:s10], [sflag:$0x1] =	stream.linear.gather [hbm4b:s5+s4], $0xC40, $0x38;
	[tilespmem:$0x2680] =	vst v63  }
0x12: {  	_ = 	snop  }
0x13: {  	[tilespmem:s11], [sflag:$0x1] =	stream.linear.gather [hbm4b:s6+s4], $0xC40, $0x38;
	[tilespmem:$0x2680] =	vst v63  }
0x14: {  	_ =	swait.ge [sflag:s12], $0x80  }
0x15: {  	[sflag:s12] =	ssyncset.done $0x0  }
0x16: {  	[sflag:s12] =	ssyncadd.s32 $0xFFFFFF80  }
0x17: {  	_ =	swait.ge [sflag:s12], $0x80  }
0x18: {  	[sflag:s12] =	ssyncset.done $0x0  }
0x19: {  	[sflag:s12] =	ssyncadd.s32 $0xFFFFFF80  }
0x1a: {  	_ =	swait.ge [sflag:s12], $0xC40  }
0x1b: {  	[sflag:s12] =	ssyncset.done $0x0  }
0x1c: {  	[sflag:s12] =	ssyncadd.s32 $0xFFFFF3C0  }
0x1d: {  	_ =	swait.ge [sflag:s12], $0xC40  }
0x1e: {  	[sflag:s12] =	ssyncset.done $0x0  }
0x1f: {  	s16 =	simm.s32 $0x130;
	[sflag:s12] =	ssyncadd.s32 $0xFFFFF3C0  }
0x20: {  	v1 =	vld [tilespmem:s16+$0x30]  }
0x21: {  	v2 =	vld [tilespmem:s16+$0xFFFFFFE0]  }
0x22: {  	v4 =	vld [tilespmem:s16+$0xFFFFFFF0]  }
0x23: {  	v10 =	vld [tilespmem:s16+$0x0]  }
0x24: {  	v11 =	vld [tilespmem:s16+$0x10]  }
0x25: {  	v3 =	vld [tilespmem:s16+$0xFFFFFFD0]  }
0x26: {  	v0 =	vld [tilespmem:s16+$0x20];
	s16 =	simm.s32 $0xDB0  }
0x27: {  	v6 =	vld [tilespmem:s16+$0x30]  }
0x28: {  	v15 =	vld [tilespmem:s16+$0xFFFFFFD0]  }
0x29: {  	v16 =	vld [tilespmem:s16+$0xFFFFFFE0]  }
0x2a: {  	v17 =	vld [tilespmem:s16+$0xFFFFFFF0]  }
0x2b: {  	v18 =	vld [tilespmem:s16+$0x0]  }
0x2c: {  	v19 =	vld [tilespmem:s16+$0x10]  }
0x2d: {  	v20 =	vld [tilespmem:s16+$0x20]  }
0x2e: {  	v5 =	vld.idx.msk [tilespmem:v1+s9+$0x0], $0xffff  }
0x2f: {  	v1 =	vld.idx.msk [tilespmem:v1+s4+$0x0], $0xffff  }
0x30: {  	v7 =	vld.idx.msk [tilespmem:v2+s9+$0x0], $0xffff  }
0x31: {  	v9 =	vld.idx.msk [tilespmem:v4+s9+$0x0], $0xffff  }
0x32: {  	v12 =	vld.idx.msk [tilespmem:v10+s9+$0x0], $0xffff  }
0x33: {  	v8 =	vld.idx.msk [tilespmem:v3+s9+$0x0], $0xffff  }
0x34: {  	v13 =	vld.idx.msk [tilespmem:v11+s9+$0x0], $0xffff  }
0x35: {  	v14 =	vld.idx.msk [tilespmem:v0+s9+$0x0], $0xffff  }
0x36: {  	v10 =	vld.idx.msk [tilespmem:v10+s4+$0x0], $0xffff;
	v6 =	vmul.f32 v6, v5  }
0x37: {  	v5 =	vld.idx.msk [tilespmem:v3+s4+$0x0], $0xffff  }
0x38: {  	v3 =	vld.idx.msk [tilespmem:v2+s4+$0x0], $0xffff;
	v7 =	vmul.f32 v16, v7;
	v9 =	vmul.f32 v17, v9;
	v1 =	vadd.f32 v6, v1  }
0x39: {  	s17 =	simm.s32 $0x1A30;
	v2 =	vmul.f32 v18, v12;
	v6 =	vmul.f32 v15, v8;
	v8 =	vld.idx.msk [tilespmem:v4+s4+$0x0], $0xffff  }
0x3a: {  	s18 =	simm.s32 $0x0;
	s19 =	simm.s32 $0x1A0;
	v11 =	vld.idx.msk [tilespmem:v11+s4+$0x0], $0xffff;
	v4 =	vmul.f32 v19, v13;
	[tilespmem:s17+$0x30] =	vst v1;
	v1 =	vmul.f32 v20, v14  }
.LBB2_2:
0x3b: {  	v12 =	vld [tilespmem:s19+$0x30];
	s18 =	sadd.s32 $0x7, s18  }
0x3c: {  	v5 =	vadd.f32 v6, v5;
	v13 =	vld [tilespmem:s19+$0xFFFFFFE0];
	p0 =	slt.u32 s18, $0xBD  }
0x3d: {  	v3 =	vadd.f32 v7, v3;
	v14 =	vld [tilespmem:s19+$0xFFFFFFF0]  }
0x3e: {  	v15 =	vld [tilespmem:s19+$0x0];
	[tilespmem:s17+$0xFFFFFFD0] =	vst v5;
	v5 =	vadd.f32 v9, v8  }
0x3f: {  	v2 =	vadd.f32 v2, v10;
	v16 =	vld [tilespmem:s19+$0x10];
	[tilespmem:s17+$0xFFFFFFE0] =	vst v3  }
0x40: {  	v4 =	vadd.f32 v4, v11;
	v3 =	vld [tilespmem:s19+$0x20];
	[tilespmem:s17+$0xFFFFFFF0] =	vst v5  }
0x41: {  	v5 =	vld [tilespmem:s19+$0xFFFFFFD0];
	[tilespmem:s17+$0x0] =	vst v2  }
0x42: {  	[tilespmem:s17+$0x10] =	vst v4;
	v2 =	vld.idx.msk [tilespmem:v0+s4+$0x0], $0xffff  }
0x43: {  	s16 =	sadd.s32 $0x70, s16;
	v4 =	vld.idx.msk [tilespmem:v12+s9+$0x0], $0xffff  }
0x44: {  	v6 =	vld [tilespmem:s16+$0x30]  }
0x45: {  	v7 =	vld.idx.msk [tilespmem:v12+s4+$0x0], $0xffff;
	v0 =	vmov v3  }
0x46: {  	v3 =	vld.idx.msk [tilespmem:v13+s9+$0x0], $0xffff  }
0x47: {  	v8 =	vld.idx.msk [tilespmem:v14+s9+$0x0], $0xffff  }
0x48: {  	v1 =	vadd.f32 v1, v2;
	v10 =	vld.idx.msk [tilespmem:v15+s9+$0x0], $0xffff  }
0x49: {  	v2 =	vld.idx.msk [tilespmem:v5+s9+$0x0], $0xffff;
	v4 =	vmul.f32 v6, v4  }
0x4a: {  	v11 =	vld.idx.msk [tilespmem:v16+s9+$0x0], $0xffff;
	[tilespmem:s17+$0x20] =	vst v1  }
0x4b: {  	v1 =	vld.idx.msk [tilespmem:v0+s9+$0x0], $0xffff;
	v4 =	vadd.f32 v4, v7  }
0x4c: {  	s17 =	sadd.s32 $0x70, s17;
	v6 =	vld [tilespmem:s16+$0xFFFFFFD0]  }
0x4d: {  	v7 =	vld [tilespmem:s16+$0xFFFFFFE0];
	[tilespmem:s17+$0x30] =	vst v4  }
0x4e: {  	v4 =	vld [tilespmem:s16+$0xFFFFFFF0]  }
0x4f: {  	v12 =	vld [tilespmem:s16+$0x0]  }
0x50: {  	v17 =	vld [tilespmem:s16+$0x10]  }
0x51: {  	v6 =	vmul.f32 v6, v2;
	v18 =	vld [tilespmem:s16+$0x20]  }
.Ltmp0:
0x52: {  	v5 =	vld.idx.msk [tilespmem:v5+s4+$0x0], $0xffff;
	v7 =	vmul.f32 v7, v3;
	(pc) =	sbr.rel @p0 .LBB2_2-.Ltmp0, $4  }
0x53: {  	v3 =	vld.idx.msk [tilespmem:v13+s4+$0x0], $0xffff;
	v9 =	vmul.f32 v4, v8  }
0x54: {  	v8 =	vld.idx.msk [tilespmem:v14+s4+$0x0], $0xffff;
	v2 =	vmul.f32 v12, v10  }
0x55: {  	v10 =	vld.idx.msk [tilespmem:v15+s4+$0x0], $0xffff;
	v4 =	vmul.f32 v17, v11  }
0x56: {  	s19 =	sadd.s32 $0x70, s19;
	v11 =	vld.idx.msk [tilespmem:v16+s4+$0x0], $0xffff;
	v1 =	vmul.f32 v18, v1  }
0x57: {  	_ =	sdelay $0x3  }
0x58: {  	v5 =	vadd.f32 v6, v5;
	v0 =	vld.idx.msk [tilespmem:v0+s4+$0x0], $0xffff  }
0x59: {  	v3 =	vadd.f32 v7, v3  }
0x5a: {  	[tilespmem:s17+$0xFFFFFFD0] =	vst v5;
	v62 =	vadd.f32 v9, v8  }
0x5b: {  	[tilespmem:s17+$0xFFFFFFE0] =	vst v3;
	v2 =	vadd.f32 v2, v10  }
0x5c: {  	[tilespmem:s17+$0xFFFFFFF0] =	vst v62;
	v63 =	vadd.f32 v4, v11  }
0x5d: {  	s15 =	sadd.s32 $0x1, s15;
	[tilespmem:s17+$0x0] =	vst v2;
	v0 =	vadd.f32 v1, v0  }
0x5e: {  	p0 =	sne.s32 s15, s8;
	[tilespmem:s17+$0x10] =	vst v63  }
.Ltmp1:
0x5f: {  	[tilespmem:s17+$0x20] =	vst v0;
	(pc) =	sbr.rel @p0 .LBB2_1-.Ltmp1, $4  }
0x60: {  	[hbm4b:s7+s4] =	stream.linear.scatter [tilespmem:s13], [sflag:$0x2], $0xC40, $0x38;
	[tilespmem:$0x2680] =	vst v63  }
0x61: {  	_ =	swait.ge [sflag:s14], $0xC40  }
0x62: {  	[sflag:s14] =	ssyncset.done $0x0  }
0x63: {  	[sflag:s14] =	ssyncadd.s32 $0xFFFFF3C0  }
0x64: {  	_ =	sfence.sel $0x180000  }
0x65: {  	[bflag:$0x0] =	sbarrier.arrive $0xFFFF  }
0x66: {  	p0 =	sne.s32 s0, $0x0;
	_ =	strace $0x90000047  }
0x67: {  	s0 =	sadd.s32 @!p0 $0x100000, s1;
	[bflag:$0x2] =	sbarrier.arrive $0xFFFF  }
0x68: {  	[sflag:s0] =	ssyncadd.tile.s32 @!p0 $0x1;
	_ =	shalt  }
.Lfunc_end2:
_tile_overlayer_lowered:
.L_overlay_start_2:
0x69: {  	(tag) =	ssettag $0x2  }
0x6a: {  	s0 =	rddreg [dreg:$0x0];
	s2 =	stileid.u32  }
0x6b: {  	s1 =	rddreg [dreg:$0x1];
	p0 =	sne.s32 s2, $0x0  }
0x6c: {  	s3 =	rddreg [dreg:$0x2];
	[bflag:$0x3] =	sbarrier.arrive $0xFFFF;
	s2 =	simm.s32 @!p0 $0x1C02  }
0x6d: {  	[timem:s3], [sflag:s2] =	dma.local @!p0 [hbm:s0], s1  }
0x6e: {  	s0 =	simm.s32 @!p0 $0x2  }
0x6f: {  	_ =	swait.ge @!p0 [sflag:s0], s1  }
0x70: {  	s1 =	ssub.s32 @!p0 $0x0, s1;
	[sflag:s0] =	ssyncset.done @!p0 $0x0  }
0x71: {  	[sflag:s0] =	ssyncadd.s32 @!p0 s1  }
0x72: {  	[bflag:$0x3] =	sbarrier.arrive $0xFFFF  }
0x73: {  	_ =	shalt  }

</sc_bundles>
